<compile_context>
chip_gen: v7x
topology: tpu7x:2x2x1
jax: 0.10.2.dev20260603
libtpu: 0.0.44.dev20260713+nightly
codegen_flags: <defaults>
</compile_context>

<pallas_src>
import functools

import jax
import jax.numpy as jnp
from jax.experimental import pallas as pl

_N = 5000
_T = 512
_NPAD = 5120
_M = _NPAD // _T
_NMS_THRESH = 0.3
_SCORE_THRESH = 0.05


_C = 256


def _nms_kernel(y1c, x1c, y2c, x2c, sc, y1r, x1r, y2r, x2r, keep_ref):
    keep_ref[...] = (sc[...] > _SCORE_THRESH).astype(jnp.float32)

    row_ids = jax.lax.broadcasted_iota(jnp.int32, (_T, _T), 0)
    col_ids = jax.lax.broadcasted_iota(jnp.int32, (_T, _T), 1)
    lower_tri = (row_ids > col_ids).astype(jnp.float32)
    colf = col_ids.astype(jnp.float32)

    def tile_cols(t):
        b = t * _T
        return (y1c[pl.ds(b, _T), :], x1c[pl.ds(b, _T), :],
                y2c[pl.ds(b, _T), :], x2c[pl.ds(b, _T), :])

    def iou_tiles(tgt, src_rows):
        ty1, tx1, ty2, tx2 = tgt
        sy1, sx1, sy2, sx2 = src_rows
        hy = jnp.maximum(jnp.minimum(ty2, sy2) - jnp.maximum(ty1, sy1), 0.0)
        wx = jnp.maximum(jnp.minimum(tx2, sx2) - jnp.maximum(tx1, sx1), 0.0)
        inter = hy * wx
        area_t = (ty2 - ty1) * (tx2 - tx1)
        area_s = (sy2 - sy1) * (sx2 - sx1)
        return inter / (area_t + area_s - inter + 1e-9)

    def tile_body(i, _):
        base = i * _T
        tcols = tile_cols(i)
        srows = (y1r[:, pl.ds(base, _T)], x1r[:, pl.ds(base, _T)],
                 y2r[:, pl.ds(base, _T)], x2r[:, pl.ds(base, _T)])

        e_self = (iou_tiles(tcols, srows) > _NMS_THRESH).astype(
            jnp.float32) * lower_tri

        def fix_cond(carry):
            return carry[1]

        def fix_body(carry):
            alive, _ = carry
            sup = alive * 0.25
            dom = alive * (sup < 0.5).astype(jnp.float32)
            vic = dom * 0.75
            new_alive = alive * (vic < 0.5).astype(jnp.float32)
            changed = jnp.any(new_alive != alive)
            return new_alive, changed

        alive0 = keep_ref[pl.ds(base, _T), :]
        alive, _ = jax.lax.fori_loop(
            0, 3, lambda k, c: fix_body(c), (alive0, True))
        keep_ref[pl.ds(base, _T), :] = alive

        pos = jnp.dot(lower_tri, alive, preferred_element_type=jnp.float32)
        pt = (pos == colf).astype(jnp.float32) * alive
        cy1 = jnp.max(tcols[0] * pt, axis=0, keepdims=True)
        cx1 = jnp.max(tcols[1] * pt, axis=0, keepdims=True)
        cy2 = jnp.max(tcols[2] * pt, axis=0, keepdims=True)
        cx2 = jnp.max(tcols[3] * pt, axis=0, keepdims=True)
        cnt = jnp.sum(alive)

        def cross_body(j, _):
            jb = j * _T
            jcols = tile_cols(j)

            crows = (cy1[:, :_C], cx1[:, :_C], cy2[:, :_C], cx2[:, :_C])
            iou = iou_tiles(jcols, crows)
            sup = jnp.max(iou, axis=1, keepdims=True)
            live = keep_ref[pl.ds(jb, _T), :]
            keep_ref[pl.ds(jb, _T), :] = live * (
                sup <= _NMS_THRESH).astype(jnp.float32)

            @pl.when(cnt > _C)
            def _():
                crows2 = (cy1[:, _C:], cx1[:, _C:], cy2[:, _C:], cx2[:, _C:])
                iou2 = iou_tiles(jcols, crows2)
                sup2 = jnp.max(iou2, axis=1, keepdims=True)
                live2 = keep_ref[pl.ds(jb, _T), :]
                keep_ref[pl.ds(jb, _T), :] = live2 * (
                    sup2 <= _NMS_THRESH).astype(jnp.float32)
            return 0

        return 0

    jax.lax.fori_loop(0, _M, tile_body, 0)


@jax.jit
def kernel(boxes, scores):
    order = jnp.argsort(-scores)
    b = jnp.take(boxes, order, axis=0)
    s = jnp.take(scores, order, axis=0)

    pad = _NPAD - _N
    bp = jnp.pad(b, ((0, pad), (0, 0)))
    sp = jnp.pad(s, ((0, pad),))

    y1c = bp[:, 0:1]
    x1c = bp[:, 1:2]
    y2c = bp[:, 2:3]
    x2c = bp[:, 3:4]
    sc = sp[:, None]
    y1r = bp[:, 0][None, :]
    x1r = bp[:, 1][None, :]
    y2r = bp[:, 2][None, :]
    x2r = bp[:, 3][None, :]

    keep = pl.pallas_call(
        _nms_kernel,
        out_shape=jax.ShapeDtypeStruct((_NPAD, 1), jnp.float32),
    )(y1c, x1c, y2c, x2c, sc, y1r, x1r, y2r, x2r)

    keepf = keep[:_N, 0]
    out = jnp.concatenate([b * keepf[:, None], (s * keepf)[:, None]], axis=1)
    return out

# --- scband reference (transcript-rebuilt; emitter-appended) ---
"""Pipeline reference for scband-faster-rcnn-4578435137655 (READ-ONLY COPY).

The authoritative reference and input builder live on the scoring server;
editing this copy changes nothing except your own understanding.
"""

import jax, jax.numpy as jnp
import numpy as np

N = 5000
NMS_THRESH = 0.3
SCORE_THRESH = 0.05


def setup_inputs(seed: int = 0) -> dict:
    key = jax.random.key(seed)
    k1, k2 = jax.random.split(key, 2)
    raw = jax.random.uniform(k1, (N, 4), dtype=jnp.float32)
    y1 = raw[:, 0] * 480.0
    x1 = raw[:, 1] * 480.0
    y2 = y1 + raw[:, 2] * 64.0 + 1.0
    x2 = x1 + raw[:, 3] * 64.0 + 1.0
    boxes = jnp.stack([y1, x1, y2, x2], axis=1)
    scores = jax.random.uniform(k2, (N,), dtype=jnp.float32)
    return {"boxes": boxes, "scores": scores}


def _iou_matrix(b):
    # b: [N, 4] as (y1, x1, y2, x2)
    area = (b[:, 2] - b[:, 0]) * (b[:, 3] - b[:, 1])
    tl = jnp.maximum(b[:, None, :2], b[None, :, :2])
    br = jnp.minimum(b[:, None, 2:], b[None, :, 2:])
    wh = jnp.clip(br - tl, 0.0)
    inter = wh[..., 0] * wh[..., 1]
    return inter / (area[:, None] + area[None, :] - inter + 1e-9)


def reference(boxes, scores):
    # Faithful jax translation of FasterRCNN._suppress core: score threshold
    # followed by greedy NMS (iou threshold 0.3), returning suppressed-masked
    # boxes and scores in score-sorted order (dense, jit-friendly).
    n = boxes.shape[0]
    order = jnp.argsort(-scores)
    b = jnp.take(boxes, order, axis=0)
    s = jnp.take(scores, order, axis=0)
    iou = _iou_matrix(b)
    keep0 = s > SCORE_THRESH
    idx = jnp.arange(n)

    def body(i, keep):
        sup = (iou[i] > NMS_THRESH) & (idx > i) & keep[i]
        return keep & (~sup)

    keep = jax.lax.fori_loop(0, n, body, keep0)
    keepf = keep.astype(b.dtype)
    out = jnp.concatenate([b * keepf[:, None], (s * keepf)[:, None]], axis=1)
    return out

if __name__ == "__main__":
    import jax
    _d = setup_inputs()
    print(jax.jit(kernel)(*tuple(_d.values())))

</pallas_src>

<mosaic_0001>
module attributes {stable_mosaic.version = 14 : i64} {
  func.func @_nms_kernel(%arg0: memref<5120x1xf32, #tpu.memory_space<vmem>>, %arg1: memref<5120x1xf32, #tpu.memory_space<vmem>>, %arg2: memref<5120x1xf32, #tpu.memory_space<vmem>>, %arg3: memref<5120x1xf32, #tpu.memory_space<vmem>>, %arg4: memref<5120x1xf32, #tpu.memory_space<vmem>>, %arg5: memref<1x5120xf32, #tpu.memory_space<vmem>>, %arg6: memref<1x5120xf32, #tpu.memory_space<vmem>>, %arg7: memref<1x5120xf32, #tpu.memory_space<vmem>>, %arg8: memref<1x5120xf32, #tpu.memory_space<vmem>>, %arg9: memref<5120x1xf32, #tpu.memory_space<vmem>>) attributes {dimension_semantics = [], scalar_prefetch = 0 : i64, scratch_operands = 0 : i64, tpu.core_type = #tpu.core_type<tc>} {
    %get3A = arith.constant 0 : index
    %get3A_0 = arith.constant 0 : index
    %get3A_1 = vector.load %arg4[%get3A, %get3A_0] : memref<5120x1xf32, #tpu.memory_space<vmem>>, vector<5120x1xf32>
    %gt3A = arith.constant 5.000000e-02 : f32
    %gt3A_2 = vector.broadcast %gt3A : f32 to vector<5120x1xf32>
    %gt3A_3 = arith.cmpf ogt, %get3A_1, %gt3A_2 : vector<5120x1xf32>
    %convert_element_type3A = arith.extui %gt3A_3 : vector<5120x1xi1> to vector<5120x1xi32>
    %convert_element_type3A_4 = arith.sitofp %convert_element_type3A : vector<5120x1xi32> to vector<5120x1xf32>
    %swap3A = arith.constant 0 : index
    %swap3A_5 = arith.constant 0 : index
    %swap3A_6 = vector.load %arg9[%swap3A, %swap3A_5] : memref<5120x1xf32, #tpu.memory_space<vmem>>, vector<5120x1xf32>
    tpu.vector_store %arg9[%swap3A, %swap3A_5], %convert_element_type3A_4 {strides = array<i32>} : memref<5120x1xf32, #tpu.memory_space<vmem>>, vector<5120x1xf32>,
    %scan3A = arith.constant 0 : i32
    %scan3A_7 = arith.constant 10 : i32
    %scan3A_8 = arith.addi %scan3A, %scan3A_7 : i32
    %scan3A_9 = arith.constant 1 : i32
    scf.for %scan3A_11 = %scan3A to %scan3A_8 step %scan3A_9  : i32 {
      %mul3A = arith.constant 512 : i32
      %mul3A_12 = arith.muli %scan3A_11, %mul3A : i32
      %get3A_13 = arith.index_cast %mul3A_12 : i32 to index
      %get3A_14 = arith.constant 0 : index
      %get3A_15 = vector.load %arg9[%get3A_13, %get3A_14] : memref<5120x1xf32, #tpu.memory_space<vmem>>, vector<512x1xf32>
      %scan3A_16 = arith.constant 0 : i32
      %scan3A_17 = arith.constant 3 : i32
      %scan3A_18 = arith.addi %scan3A_16, %scan3A_17 : i32
      %scan3A_19 = arith.constant 1 : i32
      %scan3A_20 = scf.for %scan3A_24 = %scan3A_16 to %scan3A_18 step %scan3A_19 iter_args(%scan3A_25 = %get3A_15) -> (vector<512x1xf32>)  : i32 {
        %mul3A_26 = arith.constant 2.500000e-01 : f32
        %mul3A_27 = vector.broadcast %mul3A_26 : f32 to vector<512x1xf32>
        %mul3A_28 = arith.mulf %scan3A_25, %mul3A_27 : vector<512x1xf32>
        %lt3A = arith.constant 5.000000e-01 : f32
        %lt3A_29 = vector.broadcast %lt3A : f32 to vector<512x1xf32>
        %lt3A_30 = arith.cmpf olt, %mul3A_28, %lt3A_29 : vector<512x1xf32>
        %convert_element_type3A_31 = arith.extui %lt3A_30 : vector<512x1xi1> to vector<512x1xi32>
        %convert_element_type3A_32 = arith.sitofp %convert_element_type3A_31 : vector<512x1xi32> to vector<512x1xf32>
        %mul3A_33 = arith.mulf %scan3A_25, %convert_element_type3A_32 : vector<512x1xf32>
        %mul3A_34 = arith.constant 7.500000e-01 : f32
        %mul3A_35 = vector.broadcast %mul3A_34 : f32 to vector<512x1xf32>
        %mul3A_36 = arith.mulf %mul3A_33, %mul3A_35 : vector<512x1xf32>
        %lt3A_37 = arith.constant 5.000000e-01 : f32
        %lt3A_38 = vector.broadcast %lt3A_37 : f32 to vector<512x1xf32>
        %lt3A_39 = arith.cmpf olt, %mul3A_36, %lt3A_38 : vector<512x1xf32>
        %convert_element_type3A_40 = arith.extui %lt3A_39 : vector<512x1xi1> to vector<512x1xi32>
        %convert_element_type3A_41 = arith.sitofp %convert_element_type3A_40 : vector<512x1xi32> to vector<512x1xf32>
        %mul3A_42 = arith.mulf %scan3A_25, %convert_element_type3A_41 : vector<512x1xf32>
        scf.yield %mul3A_42 : vector<512x1xf32>
      }
      %swap3A_21 = arith.index_cast %mul3A_12 : i32 to index
      %swap3A_22 = arith.constant 0 : index
      %swap3A_23 = vector.load %arg9[%swap3A_21, %swap3A_22] : memref<5120x1xf32, #tpu.memory_space<vmem>>, vector<512x1xf32>
      tpu.vector_store %arg9[%swap3A_21, %swap3A_22], %scan3A_20 {strides = array<i32>} : memref<5120x1xf32, #tpu.memory_space<vmem>>, vector<512x1xf32>,
    }
    %scan3A_10 = arith.constant 10 : i32
    return
  }
}

</mosaic_0001>

<sc_bundles>
// kernel: gather_offload_async_start.1
scs
__scs_entry_jumppad:
0x0: {  	(pc) =	sbr.rel $0x88, $3  }
0x1: {  	(tag) =	ssettag $0x0;
	lr =	simm.s32 $0x1  }
0x2: {  	[smem:$0x3F9F] =	sst lr;
	_ =	strace $0xD0000000  }
0x3: {  	_ = 	snop  }
0x4: {  	_ = 	snop  }
0x5: {  	_ = 	snop  }
0x6: {  	_ = 	snop  }
0x7: {  	_ = 	snop  }
__scs_overlays_trampoline_lowered:
0x8: {  	[smem:$0x3FAE] =	sst s0  }
0x9: {  	[smem:$0x3FAF] =	sst s1  }
0xa: {  	[smem:$0x3FB0] =	sst s2  }
0xb: {  	[smem:$0x3FB1] =	sst s3  }
0xc: {  	[smem:$0x3FB2] =	sst s4  }
0xd: {  	[smem:$0x3FB3] =	sst s5  }
0xe: {  	[smem:$0x3FB4] =	sst s6  }
0xf: {  	[smem:$0x3FB5] =	sst s7  }
0x10: {  	[smem:$0x3FB6] =	sst s8  }
0x11: {  	[smem:$0x3FB7] =	sst s9;
	s0 =	simm.s32 @!p0 $0x0  }
0x12: {  	s1 =	sld [smem:$0x3F9D];
	s0 =	simm.s32 @p0 $0x1  }
0x13: {  	[smem:$0x3FB8] =	sst s0;
	s0 =	simm.s32 @!p1 $0x0  }
0x14: {  	s2 =	sld [smem:$0x3F9C];
	s0 =	simm.s32 @p1 $0x1  }
0x15: {  	[smem:$0x3FB9] =	sst s0;
	s0 =	simm.s32 @!p2 $0x0  }
0x16: {  	s3 =	sld [smem:$0x3FDB];
	s0 =	simm.s32 @p2 $0x1  }
0x17: {  	s4 =	simm.s32 $0x1BF5;
	[smem:$0x3FBB] =	sst s0  }
0x18: {  	s0 =	sld [smem:$0x3F9E];
	_ =	swait.ge [sflag:s4], $0x0  }
0x19: {  	s7 =	sld [smem:$0x3F9F]  }
0x1a: {  	s8 =	sadd.s32 $0xFFFFE003, lr  }
0x1b: {  	s9 =	sadd.s32 $0xFFFFFEF7, lr;
	s5 =	simm.s32 $0xFFFFFFFF;
	p2 =	slt.u32 s8, $0xFFFFF086  }
0x1c: {  	p1 =	slt.u32 s9, $0xF7A;
	s5 =	simm.s32 @!p2 $0x0  }
0x1d: {  	s5 =	simm.s32 @p1 $0x1;
	p0 =	seq.s32 s7, s2  }
0x1e: {  	s7 =	smul.u32 @!p0 $0xF7A, s2;
	p2 =	seq.s32 @!p0 s5, $0x0  }
0x1f: {  	s9 =	smul.u32 $0xF7A, s1;
	s8 =	simm.s32 @!p0 $0x1BF5;
	p2 =	por !p2, p0  }
0x20: {  	[sflag:s8] =	ssyncset.s32 @!p0 $0xFFFFF086;
	s6 =	sadd.s32 @!p0 s3, s7;
	s7 =	simm.s32 @!p0 $0x108  }
0x21: {  	s3 =	sadd.s32 s3, s9;
	s6 =	sadd.s32 @!p0 $0x88, s6;
	s7 =	simm.s32 @p2 $0x1082  }
0x22: {  	[simem:s7], [sflag:s8] =	dma.local @!p0 [hbm:s6], $0xF7A  }
0x23: {  	s9 =	sor.u32 $0xD0000000, s2;
	s6 =	simm.s32 $0x108;
	_ =	swait.ge @!p0 [sflag:s8], $0x0  }
0x24: {  	s3 =	sadd.s32 $0x88, s3;
	s6 =	simm.s32 @!p1 $0x1082;
	[sflag:s4] =	ssyncset.s32 $0xFFFFF086  }
0x25: {  	[simem:s6], [sflag:s4] =	dma.local [hbm:s3], $0xF7A  }
0x26: {  	[smem:$0x3F9F] =	sst s1;
	(tag) =	ssettag s2;
	_ =	strace s9  }
0x27: {  	s1 =	sld [smem:$0x3FAF]  }
0x28: {  	s2 =	sld [smem:$0x3FB0]  }
0x29: {  	s4 =	sld [smem:$0x3FB2]  }
0x2a: {  	p0 =	seq.s32 s5, $0x0;
	s5 =	sld [smem:$0x3FB3]  }
0x2b: {  	s6 =	sld [smem:$0x3FB4]  }
0x2c: {  	s7 =	sld [smem:$0x3FB5]  }
0x2d: {  	s3 =	simm.s32 $0x108;
	s8 =	sld [smem:$0x3FB6]  }
0x2e: {  	s3 =	simm.s32 @!p0 $0x1082;
	s9 =	sld [smem:$0x3FB7]  }
0x2f: {  	lr =	sadd.s32 s0, s3;
	s0 =	sld [smem:$0x3FAE]  }
0x30: {  	s3 =	sld [smem:$0x3FB1]  }
0x31: {  	[smem:$0x3FBA] =	sst s10  }
0x32: {  	s10 =	sld [smem:$0x3FB8];
	_ =	sdelay $0x3  }
0x33: {  	p0 =	seq.s32 s10, $0x1;
	s10 =	sld [smem:$0x3FBA];
	_ =	sdelay $0x3  }
0x34: {  	[smem:$0x3FBA] =	sst s10  }
0x35: {  	s10 =	sld [smem:$0x3FB9];
	_ =	sdelay $0x3  }
0x36: {  	p1 =	seq.s32 s10, $0x1;
	s10 =	sld [smem:$0x3FBA];
	_ =	sdelay $0x3  }
0x37: {  	[smem:$0x3FBA] =	sst s10  }
0x38: {  	s10 =	sld [smem:$0x3FBB]  }
0x39: {  	_ = 	snop;
	(pc) =	sbr.ind lr, $3  }
0x3a: {  	_ = 	snop  }
0x3b: {  	_ = 	snop  }
0x3c: {  	p2 =	seq.s32 s10, $0x1;
	s10 =	sld [smem:$0x3FBA]  }
0x3d: {  	_ =	shalt  }
0x3e: {  	_ =	shalt  }
0x3f: {  	_ =	shalt  }
0x40: {  	_ =	shalt  }
0x41: {  	_ =	shalt  }
0x42: {  	_ =	shalt  }
0x43: {  	_ =	shalt  }
0x44: {  	_ =	shalt  }
0x45: {  	_ =	shalt  }
0x46: {  	_ =	shalt  }
0x47: {  	_ =	shalt  }
0x48: {  	_ =	shalt  }
0x49: {  	_ =	shalt  }
0x4a: {  	_ =	shalt  }
0x4b: {  	_ =	shalt  }
0x4c: {  	_ =	shalt  }
0x4d: {  	_ =	shalt  }
0x4e: {  	_ =	shalt  }
0x4f: {  	_ =	shalt  }
0x50: {  	_ =	shalt  }
0x51: {  	_ =	shalt  }
0x52: {  	_ =	shalt  }
0x53: {  	_ =	shalt  }
0x54: {  	_ =	shalt  }
0x55: {  	_ =	shalt  }
0x56: {  	_ =	shalt  }
0x57: {  	_ =	shalt  }
0x58: {  	_ =	shalt  }
0x59: {  	_ =	shalt  }
0x5a: {  	_ =	shalt  }
0x5b: {  	_ =	shalt  }
0x5c: {  	_ =	shalt  }
0x5d: {  	_ =	shalt  }
0x5e: {  	_ =	shalt  }
0x5f: {  	_ =	shalt  }
0x60: {  	_ =	shalt  }
0x61: {  	_ =	shalt  }
0x62: {  	_ =	shalt  }
0x63: {  	_ =	shalt  }
0x64: {  	_ =	shalt  }
0x65: {  	_ =	shalt  }
0x66: {  	_ =	shalt  }
0x67: {  	_ =	shalt  }
0x68: {  	_ =	shalt  }
0x69: {  	_ =	shalt  }
0x6a: {  	_ =	shalt  }
0x6b: {  	_ =	shalt  }
0x6c: {  	_ =	shalt  }
0x6d: {  	_ =	shalt  }
0x6e: {  	_ =	shalt  }
0x6f: {  	_ =	shalt  }
0x70: {  	_ =	shalt  }
0x71: {  	_ =	shalt  }
0x72: {  	_ =	shalt  }
0x73: {  	_ =	shalt  }
0x74: {  	_ =	shalt  }
0x75: {  	_ =	shalt  }
0x76: {  	_ =	shalt  }
0x77: {  	_ =	shalt  }
0x78: {  	_ =	shalt  }
0x79: {  	_ =	shalt  }
0x7a: {  	_ =	shalt  }
0x7b: {  	_ =	shalt  }
0x7c: {  	_ =	shalt  }
0x7d: {  	_ =	shalt  }
0x7e: {  	_ =	shalt  }
0x7f: {  	_ =	shalt  }
0x80: {  	_ =	shalt  }
0x81: {  	_ =	shalt  }
0x82: {  	_ =	shalt  }
0x83: {  	_ =	shalt  }
0x84: {  	_ =	shalt  }
0x85: {  	_ =	shalt  }
0x86: {  	_ =	shalt  }
0x87: {  	_ =	shalt  }
.Lfunc_end0:
.L_simem_size_0:
called_computation.1_lowered:
.L_overlay_start_0:
0x88: {  	s0 =	sld [smem:$0x3FD9]  }
0x89: {  	s1 =	sld [smem:$0x3FFE];
	_ =	sdelay $0x3  }
0x8a: {  	s0 =	sadd.s32 s1, s0  }
0x8b: {  	[smem:$0x3FC6] =	sst s0  }
0x8c: {  	_ = 	snop  }
0x8d: {  	s0 =	sld [smem:$0x3FC8]  }
0x8e: {  	s16 =	sld [smem:$0x3FD0];
	(tm) =	ssettm $0x1  }
0x8f: {  	s2 =	sld [smem:$0x3FFB];
	_ =	sdelay $0x3  }
0x90: {  	_ =	strace s2  }
0x91: {  	s2 =	sld [smem:$0x3FFC];
	_ =	sdelay $0x3  }
0x92: {  	_ =	strace s2  }
0x93: {  	s2 =	sld [smem:$0x3FFD];
	_ =	sdelay $0x3  }
0x94: {  	_ =	strace s2  }
0x95: {  	_ =	strace $0x8FFFFFFF  }
0x96: {  	s17 =	sld [smem:$0x3FDB];
	_ =	sdelay $0x1  }
0x97: {  	s3 =	simm.s32 $_scs_section_size  }
0x98: {  	s4 =	simm.s32 $_size__tile_overlayer_lowered;
	s5 =	simm.s32 $_tile_overlayer_lowered  }
0x99: {  	s20 =	simm.s32 $0x1BFF;
	s19 =	sshll.u32 s5, $0x1;
	s2 =	sadd.s32 s3, s17  }
0x9a: {  	s6 =	simm.s32 $0x0;
	s18 =	sshll.u32 s4, $0x1;
	s4 =	sadd.s32 s19, s2  }
0x9b: {  	[timem:s6], [sflag:s20] =	dma.local [hbm:s4], s18  }
0x9c: {  	_ =	swait.ge [sflag:s20], s18  }
0x9d: {  	s3 =	ssub.s32 $0x0, s18;
	[sflag:s20] =	ssyncset.done $0x0  }
0x9e: {  	[sflag:s20] =	ssyncadd.s32 s3;
	_ =	sdelay $0x1  }
0x9f: {  	s21 =	simm.s32 $0x1B8B  }
0xa0: {  	_ =	swait.ge [sflag:s21], $0x1  }
0xa1: {  	[sflag:s21] =	ssyncset.done $0x0  }
0xa2: {  	s23 =	simm.s32 $0x1B8E;
	s22 =	sld [smem:$0x3FFE];
	[sflag:s21] =	ssyncadd.s32 $0xFFFFFFFF  }
0xa3: {  	s24 =	simm.s32 $execute0_lowered;
	[smem:$0x3FD2] =	sst s23  }
0xa4: {  	s4 =	sshll.u32 s24, $0x1;
	_ =	strace $0x80000046;
	[dreg:$0x1] =	wrdreg $0xFFFFFFFF  }
0xa5: {  	s25 =	simm.s32 $_size_execute0_lowered;
	s2 =	sadd.s32 s2, s4;
	[dreg:$0x0] =	wrdreg $0x0  }
0xa6: {  	s4 =	sshll.u32 s25, $0x1;
	[dreg:$0x2] =	wrdreg s2  }
0xa7: {  	[dreg:$0x3] =	wrdreg s4  }
0xa8: {  	[dreg:$0x4] =	wrdreg $0xC0  }
0xa9: {  	_ =	task [dreg:s6], $0x5FFFF  }
0xaa: {  	[dreg:$0x1] =	wrdreg $0xFFFFFFFF  }
0xab: {  	[dreg:$0x0] =	wrdreg $0x60  }
0xac: {  	[dreg:$0x2] =	wrdreg s0  }
0xad: {  	[dreg:$0x3] =	wrdreg s16  }
0xae: {  	[dreg:$0x4] =	wrdreg s22  }
0xaf: {  	[dreg:$0x5] =	wrdreg $0xA  }
0xb0: {  	_ =	task.clear_ibuf [dreg:s6], $0x6FFFF;
	_ =	strace $0x90000046  }
0xb1: {  	s26 =	simm.s32 $0xA;
	_ =	strace $0x80000048  }
0xb2: {  	_ =	swait.ge [sflag:s26], $0x1  }
0xb3: {  	[sflag:s26] =	ssyncadd.s32 $0xFFFFFFFF  }
0xb4: {  	_ =	strace $0x90000048  }
0xb5: {  	_ =	sfence  }
0xb6: {  	s28 =	sld [smem:$0x0];
	_ =	sdelay $0x1  }
0xb7: {  	s29 =	srdreg.scid  }
0xb8: {  	s30 =	sshll.u32 s29, $0xD;
	s31 =	sshrl.u32 s29, $0x2  }
0xb9: {  	s1 =	sand.u32 $0x1, s29;
	s2 =	sand.u32 $0x4000, s30;
	s0 =	sadd.s32 s31, s28  }
0xba: {  	s1 =	sor.u32 s2, s1;
	s0 =	sshll.u32 s0, $0x11  }
0xbb: {  	s0 =	sor.u32 s0, s1  }
0xbc: {  	s0 =	sadd.s32 $0x8F2B, s0  }
0xbd: {  	[sflag:s0] =	ssyncadd.remote.s32 $0x1  }
0xbe: {  	_ =	sfence.sel $0xFFFF  }
0xbf: {  	[dreg:$0x0] =	wrdreg $0xFFFFFFFF;
	(pc) =	sbr.abs _section_cstart, $3  }
0xc0: {  	[dreg:$0x1] =	wrdreg $0xFFFFFFFF  }
0xc1: {  	_ =	task.clear_ibuf [dreg:s6], $0x2FFFF;
	_ =	strace $0x9FFFFFFF  }
0xc2: {  	(tm) =	ssettm $0x7FFFFFFF  }
0xc3: {  	_ =	shalt  }
tec
execute0_lowered:
.L_overlay_start_1:
0x0: {  	(tag) =	ssettag $0x1  }
0x1: {  	s2 =	rddreg [dreg:$0x0]  }
0x2: {  	s3 =	rddreg [dreg:$0x1]  }
0x3: {  	s4 =	rddreg [dreg:$0x2];
	s1 =	stileid.u32  }
0x4: {  	s0 =	rddreg [dreg:$0x3];
	_ =	strace $0x80000047;
	s6 =	simm.s32 $0x1  }
0x5: {  	s8 =	simm.s32 $0x2;
	s30 =	simm.s32 $0x3;
	s5 =	sshll.u32 s1, $0x4  }
0x6: {  	s12 =	simm.s32 $0x0;
	s9 =	simm.s32 $0x0;
	s7 =	ssub.s32 $0x1380, s5  }
0x7: {  	s10 =	simm.s32 $0x0;
	[sflag:s6] =	ssyncpa.u1 $0x0;
	s6 =	sshrl.u32 s7, $0x8  }
0x8: {  	[sflag:s8] =	ssyncpa.u1 $0x0;
	s11 =	smov.u32 s5;
	s31 =	sshll.u32 s6, $0x4  }
0x9: {  	[sflag:s30] =	ssyncpa.u1 $0x0;
	s7 =	sadd.s32 $0x2, s6;
	s8 =	sadd.s32 $0x30, s31  }
.LBB2_1:
0xa: {  	p0 =	sgt.u32 s10, s6  }
0xb: {  	s13 =	sxor.u32 @!p0 $0xFFFFFFFF, s9;
	s14 =	sshrl.u32 @!p0 s11, $0x3  }
0xc: {  	s15 =	sand.u32 @!p0 $0x7, s11;
	s13 =	sand.u32 @!p0 $0x10, s13;
	s14 =	sadd.s32 @!p0 s3, s14  }
0xd: {  	[tilespmem:s13], [sflag:$0x2] =	stream.linear.gather @!p0 [hbm4b:s14+s15], $0x10, $0x38;
	[tilespmem:$0x40] =	vst v63  }
0xe: {  	p0 =	seq.s32 s9, $0x0  }
0xf: {  	p1 =	sge.u32 @!p0 s10, s7  }
0x10: {  	p0 =	por p1, p0  }
0x11: {  	s13 =	simm.s32 @!p0 $0x2  }
0x12: {  	_ =	swait.ge @!p0 [sflag:s13], $0x10  }
0x13: {  	[sflag:s13] =	ssyncset.done @!p0 $0x0  }
0x14: {  	[sflag:s13] =	ssyncadd.s32 @!p0 $0xFFFFFFF0;
	s13 =	sand.u32 @!p0 $0x10, s9  }
0x15: {  	(ifvalue) =	ssetifvalue @!p0 $0x7FFFFFFF;
	v0 =	vld.msk @!p0 [tilespmem:s13+$0x0 ss:$0x1], $0xffff;
	_ =	sdelay $0x4  }
0x16: {  	vm0 =	vgt.s32 @!p0 v0, $0x0  }
0x17: {  	v0 =	vnsel @!p0 vm0, $0x0, v0  }
0x18: {  	v0 =	vmin.u32 @!p0 v0, $0x1387;
	_ =	sdelay $0x3  }
0x19: {  	s14 =	simm.s32 @!p0 $0x0;
	s13 =	sor.u32 @!p0 $0x20, s13;
	(ifvalue) =	ssetifvalue @!p0 $0x7FFFFFFF;
	vm0 =	vmmov @!p0 $0xffff  }
0x1a: {  	[tilespmem:s13], [sflag:$0x1] =	stream.indirect_vreg.gather @!p0 [hbm4b:s2+s14], $0x1, v0, vm0, $0x4038;
	[tilespmem:$0x40] =	vst v63  }
0x1b: {  	s14 =	simm.s32 @!p0 $0x1  }
0x1c: {  	_ =	swait.ge @!p0 [sflag:s14], $0x10  }
0x1d: {  	s15 =	sshrl.u32 @!p0 s12, $0x3;
	[sflag:s14] =	ssyncset.done @!p0 $0x0  }
0x1e: {  	s12 =	sand.u32 @!p0 $0x7, s12;
	[sflag:s14] =	ssyncadd.s32 @!p0 $0xFFFFFFF0;
	s14 =	sadd.s32 @!p0 s4, s15  }
0x1f: {  	[hbm4b:s14+s12] =	stream.linear.scatter @!p0 [tilespmem:s13], [sflag:$0x3], $0x10, $0x38;
	[tilespmem:$0x40] =	vst v63  }
0x20: {  	s14 =	sadd.s32 $0x100, s11  }
0x21: {  	s9 =	sadd.s32 $0x10, s9;
	p1 =	sgt.s32 s14, $0x1387  }
0x22: {  	s14 =	smov.u32 @p1 s5;
	p1 =	sne.s32 s8, s9  }
.Ltmp0:
0x23: {  	p0 =	slt.u32 s10, $0x2;
	(pc) =	sbr.rel @p1 .LBB2_1-.Ltmp0, $4  }
0x24: {  	s13 =	simm.s32 @!p0 $0x3  }
0x25: {  	_ =	swait.ge @!p0 [sflag:s13], $0x10  }
0x26: {  	s12 =	smov.u32 s11;
	[sflag:s13] =	ssyncset.done @!p0 $0x0  }
0x27: {  	s10 =	sadd.s32 $0x1, s10;
	s11 =	smov.u32 s14;
	[sflag:s13] =	ssyncadd.s32 @!p0 $0xFFFFFFF0  }
0x28: {  	_ =	sfence.sel $0x180000  }
0x29: {  	s2 =	simm.s32 $0x2;
	[bflag:$0x0] =	sbarrier.arrive $0xFFFF  }
0x2a: {  	s30 =	simm.s32 $0x3;
	[sflag:s2] =	ssyncpa.u1 $0x1  }
0x2b: {  	s31 =	simm.s32 $0x1;
	[sflag:s30] =	ssyncpa.u1 $0x1  }
0x2c: {  	[sflag:s31] =	ssyncpa.u1 $0x1  }
0x2d: {  	p0 =	sne.s32 s1, $0x0;
	_ =	strace $0x90000047  }
0x2e: {  	s0 =	sadd.s32 @!p0 $0x100000, s0;
	[bflag:$0x2] =	sbarrier.arrive $0xFFFF  }
0x2f: {  	[sflag:s0] =	ssyncadd.tile.s32 @!p0 $0x1;
	_ =	shalt  }
.Lfunc_end2:
_tile_overlayer_lowered:
.L_overlay_start_2:
0x30: {  	(tag) =	ssettag $0x2  }
0x31: {  	s0 =	rddreg [dreg:$0x0];
	s2 =	stileid.u32  }
0x32: {  	s1 =	rddreg [dreg:$0x1];
	p0 =	sne.s32 s2, $0x0  }
0x33: {  	s3 =	rddreg [dreg:$0x2];
	[bflag:$0x3] =	sbarrier.arrive $0xFFFF;
	s2 =	simm.s32 @!p0 $0x1C01  }
0x34: {  	[timem:s3], [sflag:s2] =	dma.local @!p0 [hbm:s0], s1  }
0x35: {  	s0 =	simm.s32 @!p0 $0x1  }
0x36: {  	_ =	swait.ge @!p0 [sflag:s0], s1  }
0x37: {  	s1 =	ssub.s32 @!p0 $0x0, s1;
	[sflag:s0] =	ssyncset.done @!p0 $0x0  }
0x38: {  	[sflag:s0] =	ssyncadd.s32 @!p0 s1  }
0x39: {  	[bflag:$0x3] =	sbarrier.arrive $0xFFFF  }
0x3a: {  	_ =	shalt  }

// kernel: gather_offload_async_start
scs
__scs_entry_jumppad:
0x0: {  	(pc) =	sbr.rel $0x88, $3  }
0x1: {  	(tag) =	ssettag $0x0;
	lr =	simm.s32 $0x1  }
0x2: {  	[smem:$0x3F9F] =	sst lr;
	_ =	strace $0xD0000000  }
0x3: {  	_ = 	snop  }
0x4: {  	_ = 	snop  }
0x5: {  	_ = 	snop  }
0x6: {  	_ = 	snop  }
0x7: {  	_ = 	snop  }
__scs_overlays_trampoline_lowered:
0x8: {  	[smem:$0x3FAE] =	sst s0  }
0x9: {  	[smem:$0x3FAF] =	sst s1  }
0xa: {  	[smem:$0x3FB0] =	sst s2  }
0xb: {  	[smem:$0x3FB1] =	sst s3  }
0xc: {  	[smem:$0x3FB2] =	sst s4  }
0xd: {  	[smem:$0x3FB3] =	sst s5  }
0xe: {  	[smem:$0x3FB4] =	sst s6  }
0xf: {  	[smem:$0x3FB5] =	sst s7  }
0x10: {  	[smem:$0x3FB6] =	sst s8  }
0x11: {  	[smem:$0x3FB7] =	sst s9;
	s0 =	simm.s32 @!p0 $0x0  }
0x12: {  	s1 =	sld [smem:$0x3F9D];
	s0 =	simm.s32 @p0 $0x1  }
0x13: {  	[smem:$0x3FB8] =	sst s0;
	s0 =	simm.s32 @!p1 $0x0  }
0x14: {  	s2 =	sld [smem:$0x3F9C];
	s0 =	simm.s32 @p1 $0x1  }
0x15: {  	[smem:$0x3FB9] =	sst s0;
	s0 =	simm.s32 @!p2 $0x0  }
0x16: {  	s3 =	sld [smem:$0x3FDB];
	s0 =	simm.s32 @p2 $0x1  }
0x17: {  	s4 =	simm.s32 $0x1BF5;
	[smem:$0x3FBB] =	sst s0  }
0x18: {  	s0 =	sld [smem:$0x3F9E];
	_ =	swait.ge [sflag:s4], $0x0  }
0x19: {  	s7 =	sld [smem:$0x3F9F]  }
0x1a: {  	s8 =	sadd.s32 $0xFFFFE003, lr  }
0x1b: {  	s9 =	sadd.s32 $0xFFFFFEF7, lr;
	s5 =	simm.s32 $0xFFFFFFFF;
	p2 =	slt.u32 s8, $0xFFFFF086  }
0x1c: {  	p1 =	slt.u32 s9, $0xF7A;
	s5 =	simm.s32 @!p2 $0x0  }
0x1d: {  	s5 =	simm.s32 @p1 $0x1;
	p0 =	seq.s32 s7, s2  }
0x1e: {  	s7 =	smul.u32 @!p0 $0xF7A, s2;
	p2 =	seq.s32 @!p0 s5, $0x0  }
0x1f: {  	s9 =	smul.u32 $0xF7A, s1;
	s8 =	simm.s32 @!p0 $0x1BF5;
	p2 =	por !p2, p0  }
0x20: {  	[sflag:s8] =	ssyncset.s32 @!p0 $0xFFFFF086;
	s6 =	sadd.s32 @!p0 s3, s7;
	s7 =	simm.s32 @!p0 $0x108  }
0x21: {  	s3 =	sadd.s32 s3, s9;
	s6 =	sadd.s32 @!p0 $0x88, s6;
	s7 =	simm.s32 @p2 $0x1082  }
0x22: {  	[simem:s7], [sflag:s8] =	dma.local @!p0 [hbm:s6], $0xF7A  }
0x23: {  	s9 =	sor.u32 $0xD0000000, s2;
	s6 =	simm.s32 $0x108;
	_ =	swait.ge @!p0 [sflag:s8], $0x0  }
0x24: {  	s3 =	sadd.s32 $0x88, s3;
	s6 =	simm.s32 @!p1 $0x1082;
	[sflag:s4] =	ssyncset.s32 $0xFFFFF086  }
0x25: {  	[simem:s6], [sflag:s4] =	dma.local [hbm:s3], $0xF7A  }
0x26: {  	[smem:$0x3F9F] =	sst s1;
	(tag) =	ssettag s2;
	_ =	strace s9  }
0x27: {  	s1 =	sld [smem:$0x3FAF]  }
0x28: {  	s2 =	sld [smem:$0x3FB0]  }
0x29: {  	s4 =	sld [smem:$0x3FB2]  }
0x2a: {  	p0 =	seq.s32 s5, $0x0;
	s5 =	sld [smem:$0x3FB3]  }
0x2b: {  	s6 =	sld [smem:$0x3FB4]  }
0x2c: {  	s7 =	sld [smem:$0x3FB5]  }
0x2d: {  	s3 =	simm.s32 $0x108;
	s8 =	sld [smem:$0x3FB6]  }
0x2e: {  	s3 =	simm.s32 @!p0 $0x1082;
	s9 =	sld [smem:$0x3FB7]  }
0x2f: {  	lr =	sadd.s32 s0, s3;
	s0 =	sld [smem:$0x3FAE]  }
0x30: {  	s3 =	sld [smem:$0x3FB1]  }
0x31: {  	[smem:$0x3FBA] =	sst s10  }
0x32: {  	s10 =	sld [smem:$0x3FB8];
	_ =	sdelay $0x3  }
0x33: {  	p0 =	seq.s32 s10, $0x1;
	s10 =	sld [smem:$0x3FBA];
	_ =	sdelay $0x3  }
0x34: {  	[smem:$0x3FBA] =	sst s10  }
0x35: {  	s10 =	sld [smem:$0x3FB9];
	_ =	sdelay $0x3  }
0x36: {  	p1 =	seq.s32 s10, $0x1;
	s10 =	sld [smem:$0x3FBA];
	_ =	sdelay $0x3  }
0x37: {  	[smem:$0x3FBA] =	sst s10  }
0x38: {  	s10 =	sld [smem:$0x3FBB]  }
0x39: {  	_ = 	snop;
	(pc) =	sbr.ind lr, $3  }
0x3a: {  	_ = 	snop  }
0x3b: {  	_ = 	snop  }
0x3c: {  	p2 =	seq.s32 s10, $0x1;
	s10 =	sld [smem:$0x3FBA]  }
0x3d: {  	_ =	shalt  }
0x3e: {  	_ =	shalt  }
0x3f: {  	_ =	shalt  }
0x40: {  	_ =	shalt  }
0x41: {  	_ =	shalt  }
0x42: {  	_ =	shalt  }
0x43: {  	_ =	shalt  }
0x44: {  	_ =	shalt  }
0x45: {  	_ =	shalt  }
0x46: {  	_ =	shalt  }
0x47: {  	_ =	shalt  }
0x48: {  	_ =	shalt  }
0x49: {  	_ =	shalt  }
0x4a: {  	_ =	shalt  }
0x4b: {  	_ =	shalt  }
0x4c: {  	_ =	shalt  }
0x4d: {  	_ =	shalt  }
0x4e: {  	_ =	shalt  }
0x4f: {  	_ =	shalt  }
0x50: {  	_ =	shalt  }
0x51: {  	_ =	shalt  }
0x52: {  	_ =	shalt  }
0x53: {  	_ =	shalt  }
0x54: {  	_ =	shalt  }
0x55: {  	_ =	shalt  }
0x56: {  	_ =	shalt  }
0x57: {  	_ =	shalt  }
0x58: {  	_ =	shalt  }
0x59: {  	_ =	shalt  }
0x5a: {  	_ =	shalt  }
0x5b: {  	_ =	shalt  }
0x5c: {  	_ =	shalt  }
0x5d: {  	_ =	shalt  }
0x5e: {  	_ =	shalt  }
0x5f: {  	_ =	shalt  }
0x60: {  	_ =	shalt  }
0x61: {  	_ =	shalt  }
0x62: {  	_ =	shalt  }
0x63: {  	_ =	shalt  }
0x64: {  	_ =	shalt  }
0x65: {  	_ =	shalt  }
0x66: {  	_ =	shalt  }
0x67: {  	_ =	shalt  }
0x68: {  	_ =	shalt  }
0x69: {  	_ =	shalt  }
0x6a: {  	_ =	shalt  }
0x6b: {  	_ =	shalt  }
0x6c: {  	_ =	shalt  }
0x6d: {  	_ =	shalt  }
0x6e: {  	_ =	shalt  }
0x6f: {  	_ =	shalt  }
0x70: {  	_ =	shalt  }
0x71: {  	_ =	shalt  }
0x72: {  	_ =	shalt  }
0x73: {  	_ =	shalt  }
0x74: {  	_ =	shalt  }
0x75: {  	_ =	shalt  }
0x76: {  	_ =	shalt  }
0x77: {  	_ =	shalt  }
0x78: {  	_ =	shalt  }
0x79: {  	_ =	shalt  }
0x7a: {  	_ =	shalt  }
0x7b: {  	_ =	shalt  }
0x7c: {  	_ =	shalt  }
0x7d: {  	_ =	shalt  }
0x7e: {  	_ =	shalt  }
0x7f: {  	_ =	shalt  }
0x80: {  	_ =	shalt  }
0x81: {  	_ =	shalt  }
0x82: {  	_ =	shalt  }
0x83: {  	_ =	shalt  }
0x84: {  	_ =	shalt  }
0x85: {  	_ =	shalt  }
0x86: {  	_ =	shalt  }
0x87: {  	_ =	shalt  }
.Lfunc_end0:
.L_simem_size_0:
called_computation_lowered:
.L_overlay_start_0:
0x88: {  	s0 =	sld [smem:$0x3FD9]  }
0x89: {  	s1 =	sld [smem:$0x3FFE];
	_ =	sdelay $0x3  }
0x8a: {  	s0 =	sadd.s32 s1, s0  }
0x8b: {  	[smem:$0x3FC6] =	sst s0  }
0x8c: {  	_ = 	snop  }
0x8d: {  	s0 =	sld [smem:$0x3FD0];
	(tm) =	ssettm $0x1  }
0x8e: {  	s16 =	sld [smem:$0x3FFB];
	_ =	sdelay $0x3  }
0x8f: {  	_ =	strace s16  }
0x90: {  	s1 =	sld [smem:$0x3FFC];
	_ =	sdelay $0x3  }
0x91: {  	_ =	strace s1  }
0x92: {  	s1 =	sld [smem:$0x3FFD];
	_ =	sdelay $0x3  }
0x93: {  	_ =	strace s1  }
0x94: {  	_ =	strace $0x8FFFFFFF  }
0x95: {  	s17 =	sld [smem:$0x3FDB];
	_ =	sdelay $0x1  }
0x96: {  	s2 =	simm.s32 $_scs_section_size  }
0x97: {  	s3 =	simm.s32 $_size__tile_overlayer_lowered;
	s4 =	simm.s32 $_tile_overlayer_lowered  }
0x98: {  	s20 =	simm.s32 $0x1BFF;
	s19 =	sshll.u32 s4, $0x1;
	s1 =	sadd.s32 s2, s17  }
0x99: {  	s5 =	simm.s32 $0x0;
	s18 =	sshll.u32 s3, $0x1;
	s3 =	sadd.s32 s19, s1  }
0x9a: {  	[timem:s5], [sflag:s20] =	dma.local [hbm:s3], s18  }
0x9b: {  	_ =	swait.ge [sflag:s20], s18  }
0x9c: {  	s2 =	ssub.s32 $0x0, s18;
	[sflag:s20] =	ssyncset.done $0x0  }
0x9d: {  	[sflag:s20] =	ssyncadd.s32 s2;
	_ =	sdelay $0x1  }
0x9e: {  	s21 =	simm.s32 $0x1B8B  }
0x9f: {  	_ =	swait.ge [sflag:s21], $0x1  }
0xa0: {  	[sflag:s21] =	ssyncset.done $0x0  }
0xa1: {  	s23 =	simm.s32 $0x1B8E;
	s22 =	sld [smem:$0x3FFE];
	[sflag:s21] =	ssyncadd.s32 $0xFFFFFFFF  }
0xa2: {  	s24 =	simm.s32 $execute0_lowered;
	[smem:$0x3FD2] =	sst s23  }
0xa3: {  	s3 =	sshll.u32 s24, $0x1;
	_ =	strace $0x80000049;
	[dreg:$0x1] =	wrdreg $0xFFFFFFFF  }
0xa4: {  	s25 =	simm.s32 $_size_execute0_lowered;
	s1 =	sadd.s32 s1, s3;
	[dreg:$0x0] =	wrdreg $0x0  }
0xa5: {  	s3 =	sshll.u32 s25, $0x1;
	[dreg:$0x2] =	wrdreg s1  }
0xa6: {  	[dreg:$0x3] =	wrdreg s3  }
0xa7: {  	[dreg:$0x4] =	wrdreg $0xC0  }
0xa8: {  	_ =	task [dreg:s5], $0x5FFFF  }
0xa9: {  	[dreg:$0x1] =	wrdreg $0xFFFFFFFF  }
0xaa: {  	[dreg:$0x0] =	wrdreg $0x60  }
0xab: {  	[dreg:$0x2] =	wrdreg s22  }
0xac: {  	[dreg:$0x3] =	wrdreg s0  }
0xad: {  	[dreg:$0x4] =	wrdreg $0x9  }
0xae: {  	_ =	task.clear_ibuf [dreg:s5], $0x5FFFF;
	_ =	strace $0x90000049  }
0xaf: {  	s26 =	simm.s32 $0x9;
	_ =	strace $0x8000004B  }
0xb0: {  	_ =	swait.ge [sflag:s26], $0x1  }
0xb1: {  	[sflag:s26] =	ssyncadd.s32 $0xFFFFFFFF  }
0xb2: {  	_ =	strace $0x9000004B  }
0xb3: {  	_ =	sfence  }
0xb4: {  	s28 =	sld [smem:$0x0];
	_ =	sdelay $0x1  }
0xb5: {  	s29 =	srdreg.scid  }
0xb6: {  	s30 =	sshll.u32 s29, $0xD;
	s31 =	sshrl.u32 s29, $0x2  }
0xb7: {  	s2 =	sand.u32 $0x4000, s30;
	s1 =	sand.u32 $0x1, s29;
	s0 =	sadd.s32 s31, s28  }
0xb8: {  	s1 =	sor.u32 s2, s1;
	s0 =	sshll.u32 s0, $0x11  }
0xb9: {  	s0 =	sor.u32 s0, s1  }
0xba: {  	s0 =	sadd.s32 $0x8F2B, s0  }
0xbb: {  	[sflag:s0] =	ssyncadd.remote.s32 $0x1  }
0xbc: {  	_ =	sfence.sel $0xFFFF  }
0xbd: {  	[dreg:$0x0] =	wrdreg $0xFFFFFFFF;
	(pc) =	sbr.abs _section_cstart, $3  }
0xbe: {  	[dreg:$0x1] =	wrdreg $0xFFFFFFFF  }
0xbf: {  	_ =	task.clear_ibuf [dreg:s5], $0x2FFFF;
	_ =	strace $0x9FFFFFFF  }
0xc0: {  	(tm) =	ssettm $0x7FFFFFFF  }
0xc1: {  	_ =	shalt  }
tec
execute0_lowered:
.L_overlay_start_1:
0x0: {  	(tag) =	ssettag $0x1  }
0x1: {  	s0 =	stileid.u32  }
0x2: {  	s1 =	smin.u32 s0, $0x9  }
0x3: {  	s1 =	sadd.s32 s0, s1  }
0x4: {  	s2 =	simm.s32 $0x190;
	p0 =	slt.u32 s0, $0x9;
	s1 =	smul.u32 $0xC8, s1  }
0x5: {  	s2 =	simm.s32 @!p0 $0xC8  }
0x6: {  	s2 =	sadd.s32 s2, s1  }
0x7: {  	s3 =	smin.u32 s2, $0x1388  }
0x8: {  	s7 =	ssub.s32 s3, s1  }
0x9: {  	p0 =	sgt.s32 s7, $0x0  }
0xa: {  	s7 =	simm.s32 @!p0 $0x0  }
0xb: {  	s31 =	sand.u32 $0xFFF8, s7  }
0xc: {  	s2 =	sshrl.u32 s31, $0x3  }
0xd: {  	s9 =	rddreg [dreg:$0x0];
	s2 =	smul.u32 $0x147B, s2  }
0xe: {  	s4 =	rddreg [dreg:$0x1];
	s6 =	simm.s32 $0x1  }
0xf: {  	s11 =	simm.s32 $0x3;
	s13 =	simm.s32 $0x0;
	s8 =	sshrl.u32 s2, $0x11  }
0x10: {  	s12 =	simm.s32 $0x0;
	s5 =	sadd.s32 $0x400, s9;
	s10 =	smul.u32 $0xC8, s8  }
.Ltmp0:
0x11: {  	s9 =	sadd.s32 $0x13E00, s9;
	s2 =	rddreg [dreg:$0x2];
	(pc) =	sbr.rel .LBB2_1-.Ltmp0, $4  }
0x12: {  	_ =	strace $0x8000004A;
	p0 =	sne.s32 s7, s10;
	s10 =	simm.s32 $0x1  }
0x13: {  	[sflag:s6] =	ssyncpa.u1 $0x0;
	s7 =	simm.s32 $0x2;
	s10 =	simm.s32 @!p0 $0x0  }
0x14: {  	[sflag:s7] =	ssyncpa.u1 $0x0;
	p0 =	por $0x0, $0x0;
	s8 =	sadd.s32 s8, s10  }
0x15: {  	vm0 =	vmmov $0xff;
	vm1 =	vcmask $0x3F20;
	[sflag:s11] =	ssyncpa.u1 $0x0;
	s11 =	smov.u32 s1;
	s10 =	sadd.s32 $0x1, s8  }
.LBB2_6:
0x16: {  	[hbm:s17] =	stream.linear.scatter [tilespmem:s14], [sflag:$0x3], $0x400, $0x38;
	[tilespmem:$0xC990] =	vst v63  }
.LBB2_7:
0x17: {  	s13 =	sadd.s32 $0xC8, s11  }
0x18: {  	s15 =	smov.u32 s1;
	p2 =	slt.s32 s13, s3  }
0x19: {  	s15 =	smov.u32 @p2 s13;
	p2 =	sne.s32 s12, s10  }
.Ltmp1:
0x1a: {  	p1 =	slt.u32 s12, $0x2;
	(pc) =	sbr.rel @!p2 .LBB2_8-.Ltmp1, $4  }
0x1b: {  	s14 =	simm.s32 @!p1 $0x3  }
0x1c: {  	s16 =	sadd.s32 $0x1, s12;
	_ =	swait.ge @!p1 [sflag:s14], $0x6400  }
0x1d: {  	p0 =	por !p0, !p0;
	s13 =	smov.u32 s11;
	[sflag:s14] =	ssyncset.done @!p1 $0x0  }
0x1e: {  	s12 =	smov.u32 s16;
	s11 =	smov.u32 s15;
	[sflag:s14] =	ssyncadd.s32 @!p1 $0xFFFF9C00  }
.LBB2_1:
0x1f: {  	p1 =	sge.u32 s12, s8  }
0x20: {  	s14 =	sxor.u32 @!p1 $0xFFFFFFFF, s12  }
0x21: {  	s14 =	sand.u32 @!p1 $0x1, s14  }
0x22: {  	s14 =	smul.u32 @!p1 $0x320, s14  }
0x23: {  	s31 =	sadd.s32 $0xFFFFFFFF, s12;
	s15 =	sshrl.u32 @!p1 s11, $0x3  }
0x24: {  	s16 =	sand.u32 @!p1 $0x7, s11;
	s15 =	sadd.s32 @!p1 s4, s15;
	s14 =	sshrl.u32 @!p1 s14, $0x2  }
0x25: {  	[tilespmem:s14], [sflag:$0x2] =	stream.linear.gather @!p1 [hbm4b:s15+s16], $0xC8, $0x38;
	[tilespmem:$0xC990] =	vst v63  }
0x26: {  	p1 =	sge.u32 s31, s8  }
.Ltmp2:
0x27: {  	_ = 	snop;
	(pc) =	sbr.rel @p1 .LBB2_7-.Ltmp2, $1  }
0x28: {  	_ =	sdelay $0x3  }
0x29: {  	s14 =	simm.s32 $0x1  }
0x2a: {  	s14 =	simm.s32 @!p0 $0x0  }
0x2b: {  	s15 =	smul.u32 $0x320, s14  }
0x2c: {  	_ =	swait.ge [sflag:s7], $0xC8  }
0x2d: {  	[sflag:s7] =	ssyncset.done $0x0;
	s16 =	sshrl.u32 s15, $0x2  }
0x2e: {  	[sflag:s7] =	ssyncadd.s32 $0xFFFFFF38;
	s15 =	sadd.s32 $0x0, s16  }
0x2f: {  	v0 =	vld.msk [tilespmem:s15+$0x0 ss:$0x1], $0xffff;
	_ =	sdelay $0x4  }
0x30: {  	vm2 =	vgt.s32 v0, $0x0  }
0x31: {  	v0 =	vnsel vm2, $0x0, v0  }
0x32: {  	v0 =	vmin.u32 v0, $0x1387  }
0x33: {  	v0 =	vshll.u32 v0, $0x4  }
0x34: {  	s14 =	smul.u32 $0x19000, s14  }
0x35: {  	s31 =	sand.u32 $0x1, s12  }
0x36: {  	s17 =	smul.u32 $0x320, s31;
	s14 =	sshrl.u32 s14, $0x2  }
0x37: {  	s19 =	smul.u32 $0x19000, s31;
	s14 =	sor.u32 $0x190, s14  }
0x38: {  	[tilespmem:s14], [sflag:$0x1] =	stream.indirect_vreg.gather [hbm:s5], $0x80, v0, vm0, $0x38;
	[tilespmem:$0xC990] =	vst v63  }
0x39: {  	s18 =	sshrl.u32 s17, $0x2;
	s20 =	sadd.s32 $0x10, s16;
	s15 =	sadd.s32 $0x400, s14  }
0x3a: {  	[tilespmem:s15], [sflag:$0x1] =	stream.indirect_vreg.gather [hbm:s5], $0x80, v0, vm1, $0x38;
	[tilespmem:$0xC990] =	vst v63  }
0x3b: {  	s17 =	sshrl.u32 s19, $0x2;
	s19 =	smov.u32 s14;
	v0 =	vld.msk [tilespmem:s20+$0x0 ss:$0x1], $0xffff;
	s20 =	simm.s32 $0x80  }
.LBB2_3:
0x3c: {  	p1 =	sne.s32 s20, $0x2C0;
	_ =	sdelay $0x4  }
0x3d: {  	vm2 =	vgt.s32 v0, $0x0  }
0x3e: {  	v0 =	vnsel vm2, $0x0, v0  }
0x3f: {  	v0 =	vmin.u32 v0, $0x1387  }
0x40: {  	v0 =	vshll.u32 v0, $0x4;
	_ =	sdelay $0x3  }
.Ltmp3:
0x41: {  	s21 =	sshra.s32 s20, $0x2;
	s19 =	sadd.s32 $0x800, s19;
	(pc) =	sbr.rel @p1 .LBB2_3-.Ltmp3, $4  }
0x42: {  	[tilespmem:s19], [sflag:$0x1] =	stream.indirect_vreg.gather [hbm:s5], $0x80, v0, vm0, $0x38;
	[tilespmem:$0xC990] =	vst v63  }
0x43: {  	s21 =	sadd.s32 s21, s16;
	s22 =	sadd.s32 $0x400, s19  }
0x44: {  	[tilespmem:s22], [sflag:$0x1] =	stream.indirect_vreg.gather [hbm:s5], $0x80, v0, vm1, $0x38;
	[tilespmem:$0xC990] =	vst v63  }
0x45: {  	s20 =	sadd.s32 $0x40, s20;
	v0 =	vld.msk [tilespmem:s21+$0x0 ss:$0x1], $0xffff  }
0x46: {  	_ =	sdelay $0x3  }
0x47: {  	vm2 =	vgt.s32 v0, $0x0  }
0x48: {  	v0 =	vnsel vm2, $0x0, v0  }
0x49: {  	v0 =	vmin.u32 v0, $0x1387  }
0x4a: {  	v0 =	vshll.u32 v0, $0x4;
	_ =	sdelay $0x3  }
0x4b: {  	s16 =	sadd.s32 $0x800, s19  }
0x4c: {  	[tilespmem:s16], [sflag:$0x1] =	stream.indirect_vreg.gather [hbm:s5], $0x80, v0, vm0, $0x38;
	[tilespmem:$0xC990] =	vst v63  }
0x4d: {  	s16 =	sadd.s32 $0x400, s16  }
0x4e: {  	[tilespmem:s16], [sflag:$0x1] =	stream.indirect_vreg.gather [hbm:s5], $0x80, v0, vm1, $0x38;
	[tilespmem:$0xC990] =	vst v63  }
0x4f: {  	v0 =	vld.msk [tilespmem:s18+$0xC0 ss:$0x1], $0xff;
	_ =	sdelay $0x4  }
0x50: {  	vm2 =	vgt.s32 v0, $0x0  }
0x51: {  	v0 =	vnsel vm2, $0x0, v0  }
0x52: {  	v0 =	vmin.u32 v0, $0x1387  }
0x53: {  	v0 =	vshll.u32 v0, $0x4;
	_ =	sdelay $0x3  }
0x54: {  	s31 =	sadd.s32 $0x6190, s17  }
0x55: {  	[tilespmem:s31], [sflag:$0x1] =	stream.indirect_vreg.gather [hbm:s5], $0x80, v0, vm0, $0x38;
	[tilespmem:$0xC990] =	vst v63  }
0x56: {  	s13 =	sshll.u32 s13, $0x4;
	_ =	swait.ge [sflag:s6], $0x6400  }
0x57: {  	s13 =	sadd.s32 s13, s9;
	[sflag:s6] =	ssyncset.done $0x0  }
0x58: {  	s17 =	sadd.s32 $0x0, s13;
	s16 =	simm.s32 $0x80;
	[sflag:s6] =	ssyncadd.s32 $0xFFFF9C00  }
.LBB2_5:
0x59: {  	[hbm:s17] =	stream.linear.scatter [tilespmem:s14], [sflag:$0x3], $0x400, $0x38;
	[tilespmem:$0xC990] =	vst v63  }
0x5a: {  	s17 =	smov.u32 s16;
	s14 =	smov.u32 s15;
	p1 =	sne.s32 s16, $0xC00  }
.Ltmp4:
0x5b: {  	s16 =	sadd.s32 $0x80, s16;
	(pc) =	sbr.rel @p1 .LBB2_5-.Ltmp4, $2  }
0x5c: {  	_ =	sdelay $0x2  }
0x5d: {  	s15 =	sadd.s32 $0x400, s15;
	s17 =	sadd.s32 s17, s13  }
.Ltmp5:
0x5e: {  	_ = 	snop;
	(pc) =	sbr.rel .LBB2_6-.Ltmp5, $1  }
0x5f: {  	_ =	sdelay $0x3  }
.LBB2_8:
0x60: {  	_ =	sfence.sel $0x180000  }
0x61: {  	s1 =	simm.s32 $0x2;
	[bflag:$0x0] =	sbarrier.arrive $0xFFFF  }
0x62: {  	s30 =	simm.s32 $0x3;
	[sflag:s1] =	ssyncpa.u1 $0x1  }
0x63: {  	s31 =	simm.s32 $0x1;
	[sflag:s30] =	ssyncpa.u1 $0x1  }
0x64: {  	[sflag:s31] =	ssyncpa.u1 $0x1  }
0x65: {  	p0 =	sne.s32 s0, $0x0;
	_ =	strace $0x9000004A  }
0x66: {  	s0 =	sadd.s32 @!p0 $0x100000, s2;
	[bflag:$0x2] =	sbarrier.arrive $0xFFFF  }
0x67: {  	[sflag:s0] =	ssyncadd.tile.s32 @!p0 $0x1;
	_ =	shalt  }
.Lfunc_end2:
_tile_overlayer_lowered:
.L_overlay_start_2:
0x68: {  	(tag) =	ssettag $0x2  }
0x69: {  	s0 =	rddreg [dreg:$0x0];
	s2 =	stileid.u32  }
0x6a: {  	s1 =	rddreg [dreg:$0x1];
	p0 =	sne.s32 s2, $0x0  }
0x6b: {  	s3 =	rddreg [dreg:$0x2];
	[bflag:$0x3] =	sbarrier.arrive $0xFFFF;
	s2 =	simm.s32 @!p0 $0x1C01  }
0x6c: {  	[timem:s3], [sflag:s2] =	dma.local @!p0 [hbm:s0], s1  }
0x6d: {  	s0 =	simm.s32 @!p0 $0x1  }
0x6e: {  	_ =	swait.ge @!p0 [sflag:s0], s1  }
0x6f: {  	s1 =	ssub.s32 @!p0 $0x0, s1;
	[sflag:s0] =	ssyncset.done @!p0 $0x0  }
0x70: {  	[sflag:s0] =	ssyncadd.s32 @!p0 s1  }
0x71: {  	[bflag:$0x3] =	sbarrier.arrive $0xFFFF  }
0x72: {  	_ =	shalt  }

</sc_bundles>
